<compile_context>
chip_gen: v7x
topology: tpu7x:2x2x1
jax: 0.10.2.dev20260603
libtpu: 0.0.44.dev20260713+nightly
codegen_flags: <defaults>
</compile_context>

<pallas_src>
import functools

import jax
import jax.numpy as jnp
from jax import lax
from jax.experimental import pallas as pl
from jax.experimental.pallas import tpu as pltpu, tpu_sc as plsc

_N_CLASSES = 1000
_B, _T = 4096, 26
_NC, _NS = 2, 16
_W_WORDS = _T * _N_CLASSES * _B
_CORE_WORDS = _W_WORDS // _NC
_SUB_WORDS = _CORE_WORDS // _NS
_CHUNK = 83_200
_N_CHUNK = _SUB_WORDS // _CHUNK
_T_PER_CORE = _T // _NC
_B_PER_SUB = _B // _NS
_N_ONES = _T_PER_CORE * _B_PER_SUB

_mesh = plsc.VectorSubcoreMesh(core_axis_name="c", subcore_axis_name="s")


@functools.partial(
    pl.kernel,
    mesh=_mesh,
    out_type=jax.ShapeDtypeStruct((_W_WORDS,), jnp.float32),
    scratch_types=[
        pltpu.VMEM((_CHUNK,), jnp.float32),
        pltpu.VMEM((_B_PER_SUB,), jnp.int32),
        pltpu.VMEM((_N_ONES,), jnp.int32),
        pltpu.VMEM((_N_ONES,), jnp.float32),
        pltpu.SemaphoreType.DMA,
    ],
)
def _sc_onehot(idxt_hbm, out_hbm, zeros_v, row_v, offs_v, ones_v, sem):
    c = lax.axis_index("c")
    s = lax.axis_index("s")

    @pl.loop(0, _CHUNK // 16)
    def _zinit(i):
        zeros_v[pl.ds(i * 16, 16)] = jnp.zeros((16,), jnp.float32)

    @pl.loop(0, _N_ONES // 16)
    def _oinit(i):
        ones_v[pl.ds(i * 16, 16)] = jnp.full((16,), 1.0, jnp.float32)

    base = c * _CORE_WORDS + s * _SUB_WORDS

    @pl.loop(0, _N_CHUNK)
    def _zfill(i):
        pltpu.sync_copy(zeros_v, out_hbm.at[pl.ds(base + i * _CHUNK, _CHUNK)])

    t0 = c * _T_PER_CORE
    b0 = s * _B_PER_SUB
    lane = lax.iota(jnp.int32, 16)

    @pl.loop(0, _T_PER_CORE)
    def _per_t(t):
        pltpu.sync_copy(
            idxt_hbm.at[pl.ds((t0 + t) * _B + b0, _B_PER_SUB)], row_v
        )

        @pl.loop(0, _B_PER_SUB // 16)
        def _per_vec(k):
            iv = row_v[pl.ds(k * 16, 16)]
            off = iv * _B + ((t0 + t) * _N_CLASSES * _B + b0 + k * 16) + lane
            offs_v[pl.ds(t * _B_PER_SUB + k * 16, 16)] = off

    plsc.subcore_barrier()
    pltpu.async_copy(ones_v, out_hbm.at[offs_v], sem).wait()


def kernel(input):
    idx_flat = input.astype(jnp.int32).T.reshape(_T * _B)
    out = _sc_onehot(idx_flat)
    return out.reshape(_T, _N_CLASSES, _B).transpose(2, 0, 1)

# --- scband reference (transcript-rebuilt; emitter-appended) ---
"""Pipeline reference for scband-discrete-encoder-23742579212835 (READ-ONLY COPY).

The authoritative reference and input builder live on the scoring server;
editing this copy changes nothing except your own understanding.
"""

import jax, jax.numpy as jnp
import numpy as np

N_CLASSES = 1000

def setup_inputs(seed: int = 0) -> dict:
    key = jax.random.key(seed)
    inp = jax.random.randint(key, (4096, 26), 0, N_CLASSES, dtype=jnp.int64 if jax.config.jax_enable_x64 else jnp.int32)
    return {"input": inp}

def reference(input) -> jnp.ndarray:
    # F.one_hot(input, n).float()
    return jax.nn.one_hot(input, N_CLASSES, dtype=jnp.float32)

if __name__ == "__main__":
    import jax
    _d = setup_inputs()
    print(jax.jit(kernel)(*tuple(_d.values())))

</pallas_src>

<mosaic_0001>
#map = affine_map<(d0, d1) -> (0)>
module attributes {stable_mosaic.version = 14 : i64} {
  func.func @_sc_onehot(%arg0: i32, %arg1: i32, %arg2: memref<106496xi32, #tpu.memory_space<hbm>>, %arg3: memref<106496000xf32, #tpu.memory_space<hbm>>, %arg4: memref<83200xf32, #tpu.memory_space<vmem>>, %arg5: memref<256xi32, #tpu.memory_space<vmem>>, %arg6: memref<3328xi32, #tpu.memory_space<vmem>>, %arg7: memref<3328xf32, #tpu.memory_space<vmem>>, %arg8: memref<!tpu.dma_semaphore, #tpu.memory_space<semaphore_mem>>) attributes {dimension_semantics = [#tpu.dimension_semantics<core_parallel>, #tpu.dimension_semantics<subcore_parallel>], iteration_bounds = array<i64: 2, 16>, scalar_prefetch = 0 : i64, scratch_operands = 5 : i64, tpu.core_type = #tpu.core_type<sc_vector_subcore>, window_params = [{transform_indices = #map}, {transform_indices = #map}]} {
    %scan3A = arith.constant 0 : i32
    %scan3A_0 = arith.constant 5200 : i32
    %scan3A_1 = arith.addi %scan3A, %scan3A_0 : i32
    %scan3A_2 = arith.constant 1 : i32
    scf.for %scan3A_28 = %scan3A to %scan3A_1 step %scan3A_2  : i32 {
      %mul3A_29 = arith.constant 1 : i32
      %mul3A_30 = arith.muli %scan3A_28, %mul3A_29 : i32
      %add3A_31 = arith.constant 0 : i32
      %add3A_32 = arith.addi %add3A_31, %mul3A_30 : i32
      %broadcast_in_dim3A = arith.constant 0.000000e+00 : f32
      %broadcast_in_dim3A_33 = vector.broadcast %broadcast_in_dim3A : f32 to vector<16xf32>
      %mul3A_34 = arith.constant 16 : i32
      %mul3A_35 = arith.muli %add3A_32, %mul3A_34 : i32
      %swap3A = arith.index_cast %mul3A_35 : i32 to index
      %swap3A_36 = tpu.vector_load %arg4[%swap3A] {strides = array<i32>} : memref<83200xf32, #tpu.memory_space<vmem>>, vector<16xf32>,
      %swap3A_37 = vector.shape_cast %swap3A_36 : vector<16xf32> to vector<16xf32>
      %swap3A_38 = vector.shape_cast %broadcast_in_dim3A_33 : vector<16xf32> to vector<16xf32>
      tpu.vector_store %arg4[%swap3A], %swap3A_38 {strides = array<i32>} : memref<83200xf32, #tpu.memory_space<vmem>>, vector<16xf32>,
    }
    %scan3A_3 = arith.constant 5200 : i32
    %scan3A_4 = arith.constant 0 : i32
    %scan3A_5 = arith.constant 208 : i32
    %scan3A_6 = arith.addi %scan3A_4, %scan3A_5 : i32
    %scan3A_7 = arith.constant 1 : i32
    scf.for %scan3A_28 = %scan3A_4 to %scan3A_6 step %scan3A_7  : i32 {
      %mul3A_29 = arith.constant 1 : i32
      %mul3A_30 = arith.muli %scan3A_28, %mul3A_29 : i32
      %add3A_31 = arith.constant 0 : i32
      %add3A_32 = arith.addi %add3A_31, %mul3A_30 : i32
      %broadcast_in_dim3A = arith.constant 1.000000e+00 : f32
      %broadcast_in_dim3A_33 = vector.broadcast %broadcast_in_dim3A : f32 to vector<16xf32>
      %mul3A_34 = arith.constant 16 : i32
      %mul3A_35 = arith.muli %add3A_32, %mul3A_34 : i32
      %swap3A = arith.index_cast %mul3A_35 : i32 to index
      %swap3A_36 = tpu.vector_load %arg7[%swap3A] {strides = array<i32>} : memref<3328xf32, #tpu.memory_space<vmem>>, vector<16xf32>,
      %swap3A_37 = vector.shape_cast %swap3A_36 : vector<16xf32> to vector<16xf32>
      %swap3A_38 = vector.shape_cast %broadcast_in_dim3A_33 : vector<16xf32> to vector<16xf32>
      tpu.vector_store %arg7[%swap3A], %swap3A_38 {strides = array<i32>} : memref<3328xf32, #tpu.memory_space<vmem>>, vector<16xf32>,
    }
    %scan3A_8 = arith.constant 208 : i32
    %mul3A = arith.constant 53248000 : i32
    %mul3A_9 = arith.muli %arg0, %mul3A : i32
    %mul3A_10 = arith.constant 3328000 : i32
    %mul3A_11 = arith.muli %arg1, %mul3A_10 : i32
    %add3A = arith.addi %mul3A_9, %mul3A_11 : i32
    %scan3A_12 = arith.constant 0 : i32
    %scan3A_13 = arith.constant 40 : i32
    %scan3A_14 = arith.addi %scan3A_12, %scan3A_13 : i32
    %scan3A_15 = arith.constant 1 : i32
    scf.for %scan3A_28 = %scan3A_12 to %scan3A_14 step %scan3A_15  : i32 {
      %mul3A_29 = arith.constant 1 : i32
      %mul3A_30 = arith.muli %scan3A_28, %mul3A_29 : i32
      %add3A_31 = arith.constant 0 : i32
      %add3A_32 = arith.addi %add3A_31, %mul3A_30 : i32
      %mul3A_33 = arith.constant 83200 : i32
      %mul3A_34 = arith.muli %add3A_32, %mul3A_33 : i32
      %add3A_35 = arith.addi %add3A, %mul3A_34 : i32
      "tpu.region"() ({
        %run_scoped3A = tpu.sem_alloc : memref<!tpu.dma_semaphore, #tpu.memory_space<semaphore_mem>>
        %dma_start3A_36 = tpu.memref_slice %arg3[%add3A_35] : memref<106496000xf32, #tpu.memory_space<hbm>> -> memref<83200xf32, #tpu.memory_space<hbm>>
        %dma_start3A_37 = tpu.memref_slice %arg3[%add3A_35] : memref<106496000xf32, #tpu.memory_space<hbm>> -> memref<83200xf32, #tpu.memory_space<hbm>>
        tpu.enqueue_dma source(%arg4 : memref<83200xf32, #tpu.memory_space<vmem>>) target(%dma_start3A_37 : memref<83200xf32, #tpu.memory_space<hbm>>) target_semaphore(%run_scoped3A : memref<!tpu.dma_semaphore, #tpu.memory_space<semaphore_mem>>)
        %dma_wait3A_38 = tpu.memref_slice %arg3[%add3A_35] : memref<106496000xf32, #tpu.memory_space<hbm>> -> memref<83200xf32, #tpu.memory_space<hbm>>
        %dma_wait3A_39 = tpu.memref_slice %arg3[%add3A_35] : memref<106496000xf32, #tpu.memory_space<hbm>> -> memref<83200xf32, #tpu.memory_space<hbm>>
        tpu.wait_dma2 semaphore(%run_scoped3A : memref<!tpu.dma_semaphore, #tpu.memory_space<semaphore_mem>>) src(%arg4 : memref<83200xf32, #tpu.memory_space<vmem>>) dst(%dma_wait3A_39 : memref<83200xf32, #tpu.memory_space<hbm>>)
        tpu.yield
      }) : () -> ()
    }
    %scan3A_16 = arith.constant 40 : i32
    %mul3A_17 = arith.constant 13 : i32
    %mul3A_18 = arith.muli %arg0, %mul3A_17 : i32
    %mul3A_19 = arith.constant 256 : i32
    %mul3A_20 = arith.muli %arg1, %mul3A_19 : i32
    %iota3A = tpu.iota {dimensions = array<i32: 0>} : vector<16xi32>
    %scan3A_21 = arith.constant 0 : i32
    %scan3A_22 = arith.constant 13 : i32
    %scan3A_23 = arith.addi %scan3A_21, %scan3A_22 : i32
    %scan3A_24 = arith.constant 1 : i32
    scf.for %scan3A_28 = %scan3A_21 to %scan3A_23 step %scan3A_24  : i32 {
      %mul3A_29 = arith.constant 1 : i32
      %mul3A_30 = arith.muli %scan3A_28, %mul3A_29 : i32
      %add3A_31 = arith.constant 0 : i32
      %add3A_32 = arith.addi %add3A_31, %mul3A_30 : i32
      %add3A_33 = arith.addi %mul3A_18, %add3A_32 : i32
      %mul3A_34 = arith.constant 4096 : i32
      %mul3A_35 = arith.muli %add3A_33, %mul3A_34 : i32
      %add3A_36 = arith.addi %mul3A_35, %mul3A_20 : i32
      "tpu.region"() ({
        %run_scoped3A = tpu.sem_alloc : memref<!tpu.dma_semaphore, #tpu.memory_space<semaphore_mem>>
        %dma_start3A_42 = tpu.memref_slice %arg2[%add3A_36] : memref<106496xi32, #tpu.memory_space<hbm>> -> memref<256xi32, #tpu.memory_space<hbm>>
        %dma_start3A_43 = tpu.memref_slice %arg2[%add3A_36] : memref<106496xi32, #tpu.memory_space<hbm>> -> memref<256xi32, #tpu.memory_space<hbm>>
        tpu.enqueue_dma source(%dma_start3A_43 : memref<256xi32, #tpu.memory_space<hbm>>) target(%arg5 : memref<256xi32, #tpu.memory_space<vmem>>) target_semaphore(%run_scoped3A : memref<!tpu.dma_semaphore, #tpu.memory_space<semaphore_mem>>)
        %dma_wait3A_44 = tpu.memref_slice %arg2[%add3A_36] : memref<106496xi32, #tpu.memory_space<hbm>> -> memref<256xi32, #tpu.memory_space<hbm>>
        %dma_wait3A_45 = tpu.memref_slice %arg2[%add3A_36] : memref<106496xi32, #tpu.memory_space<hbm>> -> memref<256xi32, #tpu.memory_space<hbm>>
        tpu.wait_dma2 semaphore(%run_scoped3A : memref<!tpu.dma_semaphore, #tpu.memory_space<semaphore_mem>>) src(%dma_wait3A_45 : memref<256xi32, #tpu.memory_space<hbm>>) dst(%arg5 : memref<256xi32, #tpu.memory_space<vmem>>)
        tpu.yield
      }) : () -> ()
      %scan3A_37 = arith.constant 0 : i32
      %scan3A_38 = arith.constant 16 : i32
      %scan3A_39 = arith.addi %scan3A_37, %scan3A_38 : i32
      %scan3A_40 = arith.constant 1 : i32
      scf.for %scan3A_42 = %scan3A_37 to %scan3A_39 step %scan3A_40  : i32 {
        %mul3A_43 = arith.constant 1 : i32
        %mul3A_44 = arith.muli %scan3A_42, %mul3A_43 : i32
        %add3A_45 = arith.constant 0 : i32
        %add3A_46 = arith.addi %add3A_45, %mul3A_44 : i32
        %mul3A_47 = arith.constant 16 : i32
        %mul3A_48 = arith.muli %add3A_46, %mul3A_47 : i32
        %get3A = arith.index_cast %mul3A_48 : i32 to index
        %get3A_49 = tpu.vector_load %arg5[%get3A] {strides = array<i32>} : memref<256xi32, #tpu.memory_space<vmem>>, vector<16xi32>,
        %get3A_50 = vector.shape_cast %get3A_49 : vector<16xi32> to vector<16xi32>
        %mul3A_51 = arith.constant 4096 : i32
        %mul3A_52 = vector.broadcast %mul3A_51 : i32 to vector<16xi32>
        %mul3A_53 = arith.muli %get3A_50, %mul3A_52 : vector<16xi32>
        %add3A_54 = arith.addi %mul3A_18, %add3A_32 : i32
        %mul3A_55 = arith.constant 1000 : i32
        %mul3A_56 = arith.muli %add3A_54, %mul3A_55 : i32
        %mul3A_57 = arith.constant 4096 : i32
        %mul3A_58 = arith.muli %mul3A_56, %mul3A_57 : i32
        %add3A_59 = arith.addi %mul3A_58, %mul3A_20 : i32
        %mul3A_60 = arith.constant 16 : i32
        %mul3A_61 = arith.muli %add3A_46, %mul3A_60 : i32
        %add3A_62 = arith.addi %add3A_59, %mul3A_61 : i32
        %add3A_63 = vector.broadcast %add3A_62 : i32 to vector<16xi32>
        %add3A_64 = arith.addi %mul3A_53, %add3A_63 : vector<16xi32>
        %add3A_65 = arith.addi %add3A_64, %iota3A : vector<16xi32>
        %mul3A_66 = arith.constant 256 : i32
        %mul3A_67 = arith.muli %add3A_32, %mul3A_66 : i32
        %mul3A_68 = arith.constant 16 : i32
        %mul3A_69 = arith.muli %add3A_46, %mul3A_68 : i32
        %add3A_70 = arith.addi %mul3A_67, %mul3A_69 : i32
        %swap3A = arith.index_cast %add3A_70 : i32 to index
        %swap3A_71 = tpu.vector_load %arg6[%swap3A] {strides = array<i32>} : memref<3328xi32, #tpu.memory_space<vmem>>, vector<16xi32>,
        %swap3A_72 = vector.shape_cast %swap3A_71 : vector<16xi32> to vector<16xi32>
        %swap3A_73 = vector.shape_cast %add3A_65 : vector<16xi32> to vector<16xi32>
        tpu.vector_store %arg6[%swap3A], %swap3A_73 {strides = array<i32>} : memref<3328xi32, #tpu.memory_space<vmem>>, vector<16xi32>,
      }
      %scan3A_41 = arith.constant 16 : i32
    }
    %scan3A_25 = arith.constant 13 : i32
    %barrier3A = arith.constant 0 : index
    tpu.barrier barrier_id(%barrier3A)
    %dma_start3A = arith.constant 0 : i32
    %dma_start3A_26 = tpu.memref_slice %arg3[%dma_start3A] : memref<106496000xf32, #tpu.memory_space<hbm>> -> memref<106496000xf32, #tpu.memory_space<hbm>>
    tpu.enqueue_indirect_dma source(%arg7 : memref<3328xf32, #tpu.memory_space<vmem>>) target(%dma_start3A_26 : memref<106496000xf32, #tpu.memory_space<hbm>>) offsets(%arg6 : memref<3328xi32, #tpu.memory_space<vmem>>) semaphore(%arg8 : memref<!tpu.dma_semaphore, #tpu.memory_space<semaphore_mem>>)
    %dma_wait3A = arith.constant 0 : i32
    %dma_wait3A_27 = tpu.memref_slice %arg3[%dma_wait3A] : memref<106496000xf32, #tpu.memory_space<hbm>> -> memref<106496000xf32, #tpu.memory_space<hbm>>
    tpu.wait_indirect_dma semaphore(%arg8 : memref<!tpu.dma_semaphore, #tpu.memory_space<semaphore_mem>>) src(%arg7 : memref<3328xf32, #tpu.memory_space<vmem>>) dst(%dma_wait3A_27 : memref<106496000xf32, #tpu.memory_space<hbm>>)
    return
  }
}

</mosaic_0001>

<sc_bundles>
// kernel: kernel.3.cloned.1.call-start
scs
__scs_entry_jumppad:
0x0: {  	(pc) =	sbr.rel $0x88, $3  }
0x1: {  	(tag) =	ssettag $0x0;
	lr =	simm.s32 $0x1  }
0x2: {  	[smem:$0x3FA0] =	sst lr;
	_ =	strace $0xD0000000  }
0x3: {  	_ = 	snop  }
0x4: {  	_ = 	snop  }
0x5: {  	_ = 	snop  }
0x6: {  	_ = 	snop  }
0x7: {  	_ = 	snop  }
__scs_overlays_trampoline_lowered:
0x8: {  	[smem:$0x3FAF] =	sst s0  }
0x9: {  	[smem:$0x3FB0] =	sst s1  }
0xa: {  	[smem:$0x3FB1] =	sst s2  }
0xb: {  	[smem:$0x3FB2] =	sst s3  }
0xc: {  	[smem:$0x3FB3] =	sst s4  }
0xd: {  	[smem:$0x3FB4] =	sst s5  }
0xe: {  	[smem:$0x3FB5] =	sst s6  }
0xf: {  	[smem:$0x3FB6] =	sst s7  }
0x10: {  	[smem:$0x3FB7] =	sst s8  }
0x11: {  	[smem:$0x3FB8] =	sst s9;
	s0 =	simm.s32 @!p0 $0x0  }
0x12: {  	s1 =	sld [smem:$0x3F9E];
	s0 =	simm.s32 @p0 $0x1  }
0x13: {  	[smem:$0x3FB9] =	sst s0;
	s0 =	simm.s32 @!p1 $0x0  }
0x14: {  	s2 =	sld [smem:$0x3F9D];
	s0 =	simm.s32 @p1 $0x1  }
0x15: {  	[smem:$0x3FBA] =	sst s0;
	s0 =	simm.s32 @!p2 $0x0  }
0x16: {  	s3 =	sld [smem:$0x3FDB];
	s0 =	simm.s32 @p2 $0x1  }
0x17: {  	s4 =	simm.s32 $0x1BF5;
	[smem:$0x3FBC] =	sst s0  }
0x18: {  	s0 =	sld [smem:$0x3F9F];
	_ =	swait.ge [sflag:s4], $0x0  }
0x19: {  	s7 =	sld [smem:$0x3FA0]  }
0x1a: {  	s8 =	sadd.s32 $0xFFFFE003, lr  }
0x1b: {  	s9 =	sadd.s32 $0xFFFFFEF7, lr;
	s5 =	simm.s32 $0xFFFFFFFF;
	p2 =	slt.u32 s8, $0xFFFFF086  }
0x1c: {  	p1 =	slt.u32 s9, $0xF7A;
	s5 =	simm.s32 @!p2 $0x0  }
0x1d: {  	s5 =	simm.s32 @p1 $0x1;
	p0 =	seq.s32 s7, s2  }
0x1e: {  	s7 =	smul.u32 @!p0 $0xF7A, s2;
	p2 =	seq.s32 @!p0 s5, $0x0  }
0x1f: {  	s9 =	smul.u32 $0xF7A, s1;
	s8 =	simm.s32 @!p0 $0x1BF5;
	p2 =	por !p2, p0  }
0x20: {  	[sflag:s8] =	ssyncset.s32 @!p0 $0xFFFFF086;
	s6 =	sadd.s32 @!p0 s3, s7;
	s7 =	simm.s32 @!p0 $0x108  }
0x21: {  	s3 =	sadd.s32 s3, s9;
	s6 =	sadd.s32 @!p0 $0x88, s6;
	s7 =	simm.s32 @p2 $0x1082  }
0x22: {  	[simem:s7], [sflag:s8] =	dma.local @!p0 [hbm:s6], $0xF7A  }
0x23: {  	s9 =	sor.u32 $0xD0000000, s2;
	s6 =	simm.s32 $0x108;
	_ =	swait.ge @!p0 [sflag:s8], $0x0  }
0x24: {  	s3 =	sadd.s32 $0x88, s3;
	s6 =	simm.s32 @!p1 $0x1082;
	[sflag:s4] =	ssyncset.s32 $0xFFFFF086  }
0x25: {  	[simem:s6], [sflag:s4] =	dma.local [hbm:s3], $0xF7A  }
0x26: {  	[smem:$0x3FA0] =	sst s1;
	(tag) =	ssettag s2;
	_ =	strace s9  }
0x27: {  	s1 =	sld [smem:$0x3FB0]  }
0x28: {  	s2 =	sld [smem:$0x3FB1]  }
0x29: {  	s4 =	sld [smem:$0x3FB3]  }
0x2a: {  	p0 =	seq.s32 s5, $0x0;
	s5 =	sld [smem:$0x3FB4]  }
0x2b: {  	s6 =	sld [smem:$0x3FB5]  }
0x2c: {  	s7 =	sld [smem:$0x3FB6]  }
0x2d: {  	s3 =	simm.s32 $0x108;
	s8 =	sld [smem:$0x3FB7]  }
0x2e: {  	s3 =	simm.s32 @!p0 $0x1082;
	s9 =	sld [smem:$0x3FB8]  }
0x2f: {  	lr =	sadd.s32 s0, s3;
	s0 =	sld [smem:$0x3FAF]  }
0x30: {  	s3 =	sld [smem:$0x3FB2]  }
0x31: {  	[smem:$0x3FBB] =	sst s10  }
0x32: {  	s10 =	sld [smem:$0x3FB9];
	_ =	sdelay $0x3  }
0x33: {  	p0 =	seq.s32 s10, $0x1;
	s10 =	sld [smem:$0x3FBB];
	_ =	sdelay $0x3  }
0x34: {  	[smem:$0x3FBB] =	sst s10  }
0x35: {  	s10 =	sld [smem:$0x3FBA];
	_ =	sdelay $0x3  }
0x36: {  	p1 =	seq.s32 s10, $0x1;
	s10 =	sld [smem:$0x3FBB];
	_ =	sdelay $0x3  }
0x37: {  	[smem:$0x3FBB] =	sst s10  }
0x38: {  	s10 =	sld [smem:$0x3FBC]  }
0x39: {  	_ = 	snop;
	(pc) =	sbr.ind lr, $3  }
0x3a: {  	_ = 	snop  }
0x3b: {  	_ = 	snop  }
0x3c: {  	p2 =	seq.s32 s10, $0x1;
	s10 =	sld [smem:$0x3FBB]  }
0x3d: {  	_ =	shalt  }
0x3e: {  	_ =	shalt  }
0x3f: {  	_ =	shalt  }
0x40: {  	_ =	shalt  }
0x41: {  	_ =	shalt  }
0x42: {  	_ =	shalt  }
0x43: {  	_ =	shalt  }
0x44: {  	_ =	shalt  }
0x45: {  	_ =	shalt  }
0x46: {  	_ =	shalt  }
0x47: {  	_ =	shalt  }
0x48: {  	_ =	shalt  }
0x49: {  	_ =	shalt  }
0x4a: {  	_ =	shalt  }
0x4b: {  	_ =	shalt  }
0x4c: {  	_ =	shalt  }
0x4d: {  	_ =	shalt  }
0x4e: {  	_ =	shalt  }
0x4f: {  	_ =	shalt  }
0x50: {  	_ =	shalt  }
0x51: {  	_ =	shalt  }
0x52: {  	_ =	shalt  }
0x53: {  	_ =	shalt  }
0x54: {  	_ =	shalt  }
0x55: {  	_ =	shalt  }
0x56: {  	_ =	shalt  }
0x57: {  	_ =	shalt  }
0x58: {  	_ =	shalt  }
0x59: {  	_ =	shalt  }
0x5a: {  	_ =	shalt  }
0x5b: {  	_ =	shalt  }
0x5c: {  	_ =	shalt  }
0x5d: {  	_ =	shalt  }
0x5e: {  	_ =	shalt  }
0x5f: {  	_ =	shalt  }
0x60: {  	_ =	shalt  }
0x61: {  	_ =	shalt  }
0x62: {  	_ =	shalt  }
0x63: {  	_ =	shalt  }
0x64: {  	_ =	shalt  }
0x65: {  	_ =	shalt  }
0x66: {  	_ =	shalt  }
0x67: {  	_ =	shalt  }
0x68: {  	_ =	shalt  }
0x69: {  	_ =	shalt  }
0x6a: {  	_ =	shalt  }
0x6b: {  	_ =	shalt  }
0x6c: {  	_ =	shalt  }
0x6d: {  	_ =	shalt  }
0x6e: {  	_ =	shalt  }
0x6f: {  	_ =	shalt  }
0x70: {  	_ =	shalt  }
0x71: {  	_ =	shalt  }
0x72: {  	_ =	shalt  }
0x73: {  	_ =	shalt  }
0x74: {  	_ =	shalt  }
0x75: {  	_ =	shalt  }
0x76: {  	_ =	shalt  }
0x77: {  	_ =	shalt  }
0x78: {  	_ =	shalt  }
0x79: {  	_ =	shalt  }
0x7a: {  	_ =	shalt  }
0x7b: {  	_ =	shalt  }
0x7c: {  	_ =	shalt  }
0x7d: {  	_ =	shalt  }
0x7e: {  	_ =	shalt  }
0x7f: {  	_ =	shalt  }
0x80: {  	_ =	shalt  }
0x81: {  	_ =	shalt  }
0x82: {  	_ =	shalt  }
0x83: {  	_ =	shalt  }
0x84: {  	_ =	shalt  }
0x85: {  	_ =	shalt  }
0x86: {  	_ =	shalt  }
0x87: {  	_ =	shalt  }
.Lfunc_end0:
.L_simem_size_0:
called_computation_lowered:
.L_overlay_start_0:
0x88: {  	s2 =	sld [smem:$0x3FD9]  }
0x89: {  	s3 =	sld [smem:$0x3FFE];
	_ =	sdelay $0x1  }
0x8a: {  	s1 =	srdreg.scid  }
0x8b: {  	s0 =	sand.u32 $0x1, s1  }
0x8c: {  	s17 =	sshll.u32 s0, $0xA;
	s2 =	sadd.s32 s3, s2  }
0x8d: {  	s2 =	sadd.s32 s2, s17  }
0x8e: {  	[smem:$0x3FC7] =	sst s2  }
0x8f: {  	_ = 	snop  }
0x90: {  	s2 =	sld [smem:$0x3FD0];
	(tm) =	ssettm $0x1  }
0x91: {  	s18 =	sld [smem:$0x3FFB];
	_ =	sdelay $0x3  }
0x92: {  	_ =	strace s18  }
0x93: {  	s3 =	sld [smem:$0x3FFC];
	_ =	sdelay $0x3  }
0x94: {  	_ =	strace s3  }
0x95: {  	s3 =	sld [smem:$0x3FFD];
	_ =	sdelay $0x3  }
0x96: {  	_ =	strace s3  }
0x97: {  	_ =	strace $0x8FFFFFFF  }
0x98: {  	s19 =	sld [smem:$0x3FDB];
	_ =	sdelay $0x1  }
0x99: {  	s4 =	simm.s32 $_scs_section_size  }
0x9a: {  	s5 =	simm.s32 $_size__tile_overlayer_lowered;
	s6 =	simm.s32 $_tile_overlayer_lowered  }
0x9b: {  	s22 =	simm.s32 $0x1BFF;
	s21 =	sshll.u32 s6, $0x1;
	s3 =	sadd.s32 s4, s19  }
0x9c: {  	s7 =	simm.s32 $0x0;
	s20 =	sshll.u32 s5, $0x1;
	s5 =	sadd.s32 s21, s3  }
0x9d: {  	[timem:s7], [sflag:s22] =	dma.local [hbm:s5], s20  }
0x9e: {  	_ =	swait.ge [sflag:s22], s20  }
0x9f: {  	s4 =	ssub.s32 $0x0, s20;
	[sflag:s22] =	ssyncset.done $0x0  }
0xa0: {  	[sflag:s22] =	ssyncadd.s32 s4;
	_ =	sdelay $0x1  }
0xa1: {  	s23 =	simm.s32 $0x1B8B  }
0xa2: {  	_ =	swait.ge [sflag:s23], $0x1  }
0xa3: {  	[sflag:s23] =	ssyncset.done $0x0  }
0xa4: {  	s25 =	simm.s32 $0x1B8E;
	s24 =	sld [smem:$0x3FFE];
	[sflag:s23] =	ssyncadd.s32 $0xFFFFFFFF  }
0xa5: {  	s26 =	simm.s32 $execute0_lowered;
	[smem:$0x3FD2] =	sst s25  }
0xa6: {  	s5 =	sshll.u32 s26, $0x1;
	_ =	strace $0x80000046;
	[dreg:$0x1] =	wrdreg $0xFFFFFFFF  }
0xa7: {  	s28 =	simm.s32 $_size_execute0_lowered;
	s3 =	sadd.s32 s3, s5;
	[dreg:$0x0] =	wrdreg $0x0  }
0xa8: {  	s5 =	sshll.u32 s28, $0x1;
	[dreg:$0x2] =	wrdreg s3  }
0xa9: {  	[dreg:$0x3] =	wrdreg s5  }
0xaa: {  	[dreg:$0x4] =	wrdreg $0xC0  }
0xab: {  	_ =	task [dreg:s7], $0x5FFFF  }
0xac: {  	[dreg:$0x1] =	wrdreg $0xFFFFFFFF  }
0xad: {  	[dreg:$0x0] =	wrdreg $0x60  }
0xae: {  	[dreg:$0x2] =	wrdreg s2  }
0xaf: {  	[dreg:$0x3] =	wrdreg s24  }
0xb0: {  	[dreg:$0x4] =	wrdreg $0x9  }
0xb1: {  	_ =	task.clear_ibuf [dreg:s7], $0x5FFFF;
	_ =	strace $0x90000046  }
0xb2: {  	s29 =	simm.s32 $0x9;
	_ =	strace $0x80000048  }
0xb3: {  	_ =	swait.ge [sflag:s29], $0x1  }
0xb4: {  	[sflag:s29] =	ssyncadd.s32 $0xFFFFFFFF  }
0xb5: {  	_ =	strace $0x90000048  }
0xb6: {  	_ =	sfence  }
0xb7: {  	s30 =	sld [smem:$0x0];
	_ =	sdelay $0x2  }
0xb8: {  	s31 =	sshll.u32 s1, $0xD;
	s1 =	sshrl.u32 s1, $0x2  }
0xb9: {  	s3 =	sand.u32 $0x4000, s31;
	s1 =	sadd.s32 s1, s30  }
0xba: {  	s0 =	sor.u32 s3, s0;
	s1 =	sshll.u32 s1, $0x11  }
0xbb: {  	s0 =	sor.u32 s1, s0  }
0xbc: {  	s0 =	sadd.s32 $0x8F2B, s0  }
0xbd: {  	[sflag:s0] =	ssyncadd.remote.s32 $0x1  }
0xbe: {  	_ =	sfence.sel $0xFFFF  }
0xbf: {  	[dreg:$0x0] =	wrdreg $0xFFFFFFFF;
	(pc) =	sbr.abs _section_cstart, $3  }
0xc0: {  	[dreg:$0x1] =	wrdreg $0xFFFFFFFF  }
0xc1: {  	_ =	task.clear_ibuf [dreg:s7], $0x2FFFF;
	_ =	strace $0x9FFFFFFF  }
0xc2: {  	(tm) =	ssettm $0x7FFFFFFF  }
0xc3: {  	_ =	shalt  }
tec
execute0_lowered:
.L_overlay_start_1:
0x0: {  	(tag) =	ssettag $0x1  }
0x1: {  	s1 =	rddreg [dreg:$0x0]  }
0x2: {  	s4 =	rddreg [dreg:$0x1];
	s2 =	srdreg.scid  }
0x3: {  	s0 =	rddreg [dreg:$0x2];
	s3 =	simm.s32 $0x0;
	s10 =	simm.s32 $0x2  }
0x4: {  	s11 =	simm.s32 $0xD00;
	s12 =	simm.s32 $0x14600;
	s5 =	sand.u32 $0x1, s2  }
0x5: {  	s13 =	simm.s32 $0x15300;
	s2 =	stileid.u32;
	s9 =	smul.u32 $0x32C8000, s5  }
0x6: {  	s14 =	simm.s32 $0x1;
	[smem:$0x7FF] =	sst s3;
	s6 =	smul.u32 $0x32C800, s2  }
0x7: {  	s4 =	sadd.s32 $0x400, s4;
	_ =	strace $0x80000047;
	s7 =	ssub.s32 $0x2, s5  }
0x8: {  	s5 =	smul.u32 $0xD, s5;
	s8 =	sshrl.u32 s7, $0x1;
	s6 =	sadd.s32 s6, s9  }
0x9: {  	s7 =	ssub.s32 s7, s8;
	s31 =	sshrl.u32 s6, $0x3;
	s6 =	sshll.u32 s2, $0x8  }
0xa: {  	v0 =	vimm.f32 $0.0e+00;
	v1 =	vimm.f32 $1.000000000e+00;
	v2 =	vlaneseq.u32;
	s7 =	smax.u32 s7, $0x1;
	s8 =	sadd.s32 s31, s4;
	s9 =	sor.u32 s6, s9  }
.LBB2_1:
0xb: {  	s15 =	simm.s32 $0x40;
	s16 =	simm.s32 $0x0  }
.LBB2_2:
0xc: {  	p0 =	sne.s32 s15, $0x513C0;
	[tilespmem:s16+$0x0] =	vst v0;
	s16 =	smov.u32 s15;
	s15 =	sadd.s32 $0x40, s15  }
.Ltmp0:
0xd: {  	(pc) =	sbr.rel @p0 .LBB2_2-.Ltmp0, $2  }
0xe: {  	_ =	sdelay $0x2  }
0xf: {  	s16 =	sshra.s32 s16, $0x2  }
0x10: {  	[tilespmem:s16+$0x0] =	vst v0;
	s15 =	simm.s32 $0x40;
	s16 =	simm.s32 $0x0  }
.LBB2_4:
0x11: {  	p0 =	sne.s32 s15, $0x33C0;
	[tilespmem:s16+$0x15300] =	vst v1;
	s16 =	smov.u32 s15;
	s15 =	sadd.s32 $0x40, s15  }
.Ltmp1:
0x12: {  	(pc) =	sbr.rel @p0 .LBB2_4-.Ltmp1, $2  }
0x13: {  	_ =	sdelay $0x2  }
0x14: {  	s16 =	sshra.s32 s16, $0x2  }
0x15: {  	[tilespmem:s16+$0x15300] =	vst v1;
	s31 =	sadd.s32 $0x0, s8;
	s15 =	simm.s32 $0x0  }
0x16: {  	[hbm4b:s31+s15] =	stream.linear.scatter [tilespmem:s15], [sflag:$0x2], $0x14500, $0x38;
	[tilespmem:$0x16000] =	vst v63  }
0x17: {  	_ =	swait.ge [sflag:s10], $0x14500  }
0x18: {  	s16 =	simm.s32 $0x28A0;
	[sflag:s10] =	ssyncset.done $0x0  }
.LBB2_6:
0x19: {  	s17 =	sadd.s32 s16, s8;
	[sflag:s10] =	ssyncadd.s32 $0xFFFEBB00;
	p0 =	sne.s32 s16, $0x63060  }
0x1a: {  	[hbm4b:s17+s15] =	stream.linear.scatter [tilespmem:s15], [sflag:$0x2], $0x14500, $0x38;
	[tilespmem:$0x16000] =	vst v63  }
.Ltmp2:
0x1b: {  	_ = 	snop;
	(pc) =	sbr.rel @p0 .LBB2_6-.Ltmp2, $4  }
0x1c: {  	_ = 	snop  }
0x1d: {  	s16 =	sadd.s32 $0x28A0, s16  }
0x1e: {  	_ =	swait.ge [sflag:s10], $0x14500  }
0x1f: {  	[sflag:s10] =	ssyncset.done $0x0  }
0x20: {  	[sflag:s10] =	ssyncadd.s32 $0xFFFEBB00;
	s16 =	smov.u32 s9;
	s17 =	simm.s32 $0x0  }
.LBB2_8:
0x21: {  	s18 =	sadd.s32 s5, s17  }
0x22: {  	s18 =	sshll.u32 s18, $0xC  }
0x23: {  	s18 =	sor.u32 s6, s18  }
0x24: {  	s18 =	sshrl.u32 s18, $0x3  }
0x25: {  	s19 =	sadd.s32 s1, s18;
	s18 =	simm.s32 $0x14500  }
0x26: {  	[tilespmem:s18], [sflag:$0x2] =	stream.linear.gather [hbm4b:s19+s15], $0x100, $0x38;
	[tilespmem:$0x16000] =	vst v63  }
0x27: {  	_ =	swait.ge [sflag:s10], $0x100  }
0x28: {  	s31 =	sshll.u32 s17, $0x8;
	[sflag:s10] =	ssyncset.done $0x0  }
0x29: {  	s19 =	sand.u32 $0x3FFFFF00, s31;
	[sflag:s10] =	ssyncadd.s32 $0xFFFFFF00  }
0x2a: {  	s21 =	simm.s32 $0x10;
	s20 =	simm.s32 $0x0;
	s19 =	sadd.s32 $0x14600, s19;
	v3 =	vld [tilespmem:s18+$0x0]  }
.LBB2_9:
0x2b: {  	p0 =	sne.s32 s21, $0xF0;
	_ =	sdelay $0x3  }
.Ltmp3:
0x2c: {  	s22 =	sadd.s32 s20, s16;
	s23 =	sand.u32 $0x80, s20;
	v3 =	vshll.u32 v3, $0xC;
	(pc) =	sbr.rel @p0 .LBB2_9-.Ltmp3, $4  }
0x2d: {  	s23 =	sadd.s32 s23, s19;
	v3 =	vadd.s32 s22, v3;
	s22 =	sand.u32 $0x70, s20;
	s20 =	smov.u32 s21  }
0x2e: {  	v3 =	vor.u32 v2, v3;
	s22 =	sadd.s32 s22, s23  }
0x2f: {  	s18 =	sadd.s32 $0x10, s18;
	[tilespmem:s22+$0x0] =	vst v3  }
0x30: {  	s21 =	sadd.s32 $0x10, s21;
	v3 =	vld [tilespmem:s18+$0x0]  }
0x31: {  	_ = 	snop  }
0x32: {  	s17 =	sadd.s32 $0x1, s17  }
0x33: {  	p0 =	sne.s32 s17, $0xD  }
.Ltmp4:
0x34: {  	_ = 	snop;
	(pc) =	sbr.rel @p0 .LBB2_8-.Ltmp4, $4  }
0x35: {  	s18 =	sadd.s32 s20, s16;
	s21 =	sand.u32 $0x80, s20;
	v3 =	vshll.u32 v3, $0xC  }
0x36: {  	s31 =	sand.u32 $0x70, s20;
	s19 =	sadd.s32 s21, s19;
	v3 =	vadd.s32 s18, v3  }
0x37: {  	s18 =	sadd.s32 s31, s19;
	v3 =	vor.u32 v2, v3  }
0x38: {  	s16 =	sadd.s32 $0x3E8000, s16;
	[tilespmem:s18+$0x0] =	vst v3  }
0x39: {  	s3 =	sadd.s32 $0x1, s3  }
0x3a: {  	p0 =	sne.s32 s3, s7  }
.Ltmp5:
0x3b: {  	[bflag:$0x0] =	sbarrier.arrive $0xFFFF;
	(pc) =	sbr.rel @p0 .LBB2_1-.Ltmp5, $4  }
0x3c: {  	[hbm4b:s4+s11] =	stream.indirect.scatter [tilespmem:s13], [sflag:$0x1], $0x1, s12, s11, $0xb8;
	[tilespmem:$0x16000] =	vst v63  }
0x3d: {  	_ =	swait.ge [sflag:s14], $0xD00  }
0x3e: {  	[sflag:s14] =	ssyncset.done $0x0  }
0x3f: {  	[sflag:s14] =	ssyncadd.s32 $0xFFFFF300  }
0x40: {  	_ =	sfence.sel $0x180000  }
0x41: {  	[bflag:$0x0] =	sbarrier.arrive $0xFFFF  }
0x42: {  	p0 =	sne.s32 s2, $0x0;
	_ =	strace $0x90000047  }
0x43: {  	s0 =	sadd.s32 @!p0 $0x100000, s0;
	[bflag:$0x2] =	sbarrier.arrive $0xFFFF  }
0x44: {  	[sflag:s0] =	ssyncadd.tile.s32 @!p0 $0x1;
	_ =	shalt  }
.Lfunc_end2:
_tile_overlayer_lowered:
.L_overlay_start_2:
0x45: {  	(tag) =	ssettag $0x2  }
0x46: {  	s0 =	rddreg [dreg:$0x0];
	s2 =	stileid.u32  }
0x47: {  	s1 =	rddreg [dreg:$0x1];
	p0 =	sne.s32 s2, $0x0  }
0x48: {  	s3 =	rddreg [dreg:$0x2];
	[bflag:$0x3] =	sbarrier.arrive $0xFFFF;
	s2 =	simm.s32 @!p0 $0x1C02  }
0x49: {  	[timem:s3], [sflag:s2] =	dma.local @!p0 [hbm:s0], s1  }
0x4a: {  	s0 =	simm.s32 @!p0 $0x2  }
0x4b: {  	_ =	swait.ge @!p0 [sflag:s0], s1  }
0x4c: {  	s1 =	ssub.s32 @!p0 $0x0, s1;
	[sflag:s0] =	ssyncset.done @!p0 $0x0  }
0x4d: {  	[sflag:s0] =	ssyncadd.s32 @!p0 s1  }
0x4e: {  	[bflag:$0x3] =	sbarrier.arrive $0xFFFF  }
0x4f: {  	_ =	shalt  }

</sc_bundles>
